<compile_context>
chip_gen: v7x
topology: tpu7x:2x2x1
jax: 0.10.2.dev20260603
libtpu: 0.0.44.dev20260713+nightly
codegen_flags: <defaults>
</compile_context>

<pallas_src>
import functools
import numpy as np
import jax
import jax.numpy as jnp
from jax import lax
from jax.experimental import pallas as pl
from jax.experimental.pallas import tpu as pltpu
from jax.experimental.pallas import tpu_sc as plsc

HIDDEN = 256
NDIM = 3
K = 32
SBLK = 1024


def _posembed_consts():
    dim_per = HIDDEN // NDIM
    if dim_per % 2 == 1:
        dim_per -= 1
    half = dim_per // 2
    omega = 1.0 / (10000.0 ** (np.arange(half, dtype=np.float32) / half))
    D = np.zeros((NDIM, HIDDEN), dtype=np.float32)
    phase = np.zeros((1, HIDDEN), dtype=np.float32)
    valid = np.zeros((1, HIDDEN), dtype=np.float32)
    for j in range(NDIM * dim_per):
        d, r = j // dim_per, j % dim_per
        w = omega[r] if r < half else omega[r - half]
        D[d, j] = w
        phase[0, j] = 0.0 if r < half else np.float32(np.pi / 2)
        valid[0, j] = 1.0
    return jnp.asarray(D), jnp.asarray(phase), jnp.asarray(valid)


def _fast_sin(t):
    f32 = jnp.float32
    k = jnp.round(t * f32(0.3183098861837907))
    r = t - k * f32(3.140625)
    r = r - k * f32(9.676535897932795e-04)
    r = r - k * f32(2.8498605570610653e-10)
    s = r * r
    p = f32(-2.3889859e-08)
    p = p * s + f32(2.7525562e-06)
    p = p * s - f32(1.9840874e-04)
    p = p * s + f32(8.3333310e-03)
    p = p * s - f32(1.6666654e-01)
    sinr = r + r * (s * p)
    odd = (k.astype(jnp.int32) & 1) == 1
    return jnp.where(odd, -sinr, sinr)


def _sc_gather_rows(table, gidx, n_rows, row_w):
    info = plsc.get_sparse_core_info()
    nw = info.num_cores * info.num_subcores
    per_w = n_rows // nw
    mesh = plsc.VectorSubcoreMesh(core_axis_name="c", subcore_axis_name="s")

    @functools.partial(
        pl.kernel, mesh=mesh,
        out_type=jax.ShapeDtypeStruct((n_rows, row_w), jnp.float32),
        scratch_types=[
            pltpu.VMEM((per_w,), jnp.int32),
            pltpu.VMEM((per_w, row_w), jnp.float32),
            pltpu.SemaphoreType.DMA,
        ],
    )
    def gather_k(table_hbm, idx_hbm, out_hbm, idx_v, rows_v, sem):
        wid = lax.axis_index("s") * info.num_cores + lax.axis_index("c")
        base = wid * per_w
        pltpu.sync_copy(idx_hbm.at[pl.ds(base, per_w)], idx_v)
        pltpu.async_copy(table_hbm.at[idx_v], rows_v, sem).wait()
        pltpu.sync_copy(rows_v, out_hbm.at[pl.ds(base, per_w)])

    return gather_k(table, gidx)


def _body(x_ref, xt_ref, sup_ref, dmat_ref, sinm_ref, valid_ref,
          win_ref, bin_ref, w1_ref, b1_ref, w2_ref, b2_ref,
          out_ref, y_scr, *, n_points):
    s_blk = pl.program_id(1)
    f32 = jnp.float32

    @pl.when(s_blk == 0)
    def _compute_mlp():
        xx = x_ref[0]
        proj = jnp.dot(xx, win_ref[...], preferred_element_type=f32) + bin_ref[...]
        t = jnp.dot(xx, dmat_ref[...], preferred_element_type=f32)
        pos = _fast_sin(t + sinm_ref[...]) * valid_ref[...]
        h = proj + pos
        h = jnp.dot(h, w1_ref[...], preferred_element_type=f32) + b1_ref[...]
        h = jax.nn.gelu(h)
        y_scr[...] = jnp.dot(h, w2_ref[...], preferred_element_type=f32) + b2_ref[...]

    sup = sup_ref[0][:, :NDIM]

    xt = xt_ref[0]
    acc = jnp.zeros((SBLK, n_points), dtype=f32)
    for d in range(NDIM):
        diff = sup[:, d:d + 1] - xt[d:d + 1, :]
        acc = acc + diff * diff

    bits = lax.bitcast_convert_type(acc, jnp.int32)
    lo = jnp.zeros((SBLK, 1), jnp.int32)
    hi = jnp.full((SBLK, 1), 0x7FFFFFFF, jnp.int32)

    def bs_body(_, carry):
        lo, hi = carry
        mid = lo + (hi - lo) // 2
        cnt = jnp.sum((bits <= mid).astype(jnp.int32), axis=1, keepdims=True)
        ge = cnt >= K
        return jnp.where(ge, lo, mid + 1), jnp.where(ge, mid, hi)

    lo, hi = lax.fori_loop(0, 31, bs_body, (lo, hi))
    v_kth = lo
    lt = bits < v_kth
    eq = bits == v_kth
    n_ties = K - jnp.sum(lt.astype(jnp.int32), axis=1, keepdims=True)

    chunk = 128
    n_chunks = n_points // chunk
    eqf = eq.astype(f32)
    eqr = eqf.reshape(SBLK * n_chunks, chunk)
    tri_in = (lax.broadcasted_iota(jnp.int32, (chunk, chunk), 0)
              <= lax.broadcasted_iota(jnp.int32, (chunk, chunk), 1)).astype(f32)
    pw = jnp.dot(eqr, tri_in, preferred_element_type=f32)
    csum = pw[:, chunk - 1:chunk].reshape(SBLK, n_chunks)
    tri_ex = (lax.broadcasted_iota(jnp.int32, (n_chunks, n_chunks), 0)
              < lax.broadcasted_iota(jnp.int32, (n_chunks, n_chunks), 1)).astype(f32)
    coff = jnp.dot(csum, tri_ex, preferred_element_type=f32)
    ranks = (pw.reshape(SBLK, n_chunks, chunk)
             + coff[:, :, None]).reshape(SBLK, n_points)
    A = (lt | (eq & (ranks <= n_ties.astype(f32)))).astype(f32)

    out_ref[0] = jnp.dot(A, y_scr[...], preferred_element_type=f32) * f32(1.0 / K)


def kernel(input_points, supernode_idxs, W_in, b_in, W1, b1, W2, b2):
    B, N, _ = input_points.shape
    S = supernode_idxs.shape[1]
    dmat, sinmask, valid = _posembed_consts()
    x = input_points.astype(jnp.float32)
    xt = jnp.transpose(x, (0, 2, 1))

    row_w = 128
    x_pad = jnp.pad(x, ((0, 0), (0, 0), (0, row_w - NDIM))).reshape(B * N, row_w)
    gidx = (supernode_idxs.astype(jnp.int32)
            + jnp.arange(B, dtype=jnp.int32)[:, None] * N).reshape(B * S)
    sup16 = _sc_gather_rows(x_pad, gidx, B * S, row_w).reshape(B, S, row_w)

    grid = (B, S // SBLK)
    out = pl.pallas_call(
        functools.partial(_body, n_points=N),
        grid=grid,
        in_specs=[
            pl.BlockSpec((1, N, NDIM), lambda b, s: (b, 0, 0)),
            pl.BlockSpec((1, NDIM, N), lambda b, s: (b, 0, 0)),
            pl.BlockSpec((1, SBLK, 128), lambda b, s: (b, s, 0)),
            pl.BlockSpec((NDIM, HIDDEN), lambda b, s: (0, 0)),
            pl.BlockSpec((1, HIDDEN), lambda b, s: (0, 0)),
            pl.BlockSpec((1, HIDDEN), lambda b, s: (0, 0)),
            pl.BlockSpec((NDIM, HIDDEN), lambda b, s: (0, 0)),
            pl.BlockSpec((1, HIDDEN), lambda b, s: (0, 0)),
            pl.BlockSpec((HIDDEN, HIDDEN), lambda b, s: (0, 0)),
            pl.BlockSpec((1, HIDDEN), lambda b, s: (0, 0)),
            pl.BlockSpec((HIDDEN, HIDDEN), lambda b, s: (0, 0)),
            pl.BlockSpec((1, HIDDEN), lambda b, s: (0, 0)),
        ],
        out_specs=pl.BlockSpec((1, SBLK, HIDDEN), lambda b, s: (b, s, 0)),
        out_shape=jax.ShapeDtypeStruct((B, S, HIDDEN), jnp.float32),
        scratch_shapes=[pltpu.VMEM((N, HIDDEN), jnp.float32)],
    )(x, xt, sup16, dmat, sinmask, valid,
      W_in, b_in.reshape(1, HIDDEN), W1, b1.reshape(1, HIDDEN),
      W2, b2.reshape(1, HIDDEN))
    return out

# --- scband reference (transcript-rebuilt; emitter-appended) ---
"""Pipeline reference for scband-supernode-pooling-34943853920677 (READ-ONLY COPY).

The authoritative reference and input builder live on the scoring server;
editing this copy changes nothing except your own understanding.
"""

import jax, jax.numpy as jnp
import numpy as np

HIDDEN_DIM = 256
NDIM = 3
MAX_DEGREE = 32


def k_nearest_neighbors(x, supernode_idxs, k):
    def process_sample(sample_x, sample_supernodes_idxs):
        dists = jnp.sum((sample_x[:, None, :] - sample_x[None, :, :]) ** 2, axis=-1)
        dists_from_supernodes = dists[sample_supernodes_idxs]
        neighbor_idxs = jnp.argsort(dists_from_supernodes, axis=1)[:, :k]
        return sample_x[neighbor_idxs]
    return jax.vmap(process_sample, in_axes=(0, 0))(x, supernode_idxs)


def continuous_sincos_embed(coords, dim, ndim):
    dim_per = dim // ndim
    if dim_per % 2 == 1:
        dim_per -= 1
    half = dim_per // 2
    omega = 1.0 / (10000.0 ** (jnp.arange(half, dtype=jnp.float32) / half))
    out = coords[..., None] * omega  # (..., ndim, half)
    emb = jnp.concatenate([jnp.sin(out), jnp.cos(out)], axis=-1)  # (..., ndim, dim_per)
    emb = emb.reshape(coords.shape[:-1] + (ndim * dim_per,))
    pad = dim - ndim * dim_per
    if pad > 0:
        emb = jnp.concatenate([emb, jnp.zeros(emb.shape[:-1] + (pad,), emb.dtype)], axis=-1)
    return emb


def setup_inputs(seed: int = 0) -> dict:
    key = jax.random.key(seed)
    k1, k2, k3, k4, k5 = jax.random.split(key, 5)
    B, N, S = 4, 2048, 1024
    input_points = jax.random.normal(k1, (B, N, NDIM), dtype=jnp.float32)
    supernode_idxs = jax.random.randint(k2, (B, S), 0, N).astype(jnp.int64)
    W_in = jax.random.normal(k3, (NDIM, HIDDEN_DIM), dtype=jnp.float32) * (1.0 / np.sqrt(NDIM))
    b_in = jnp.zeros((HIDDEN_DIM,), dtype=jnp.float32)
    W1 = jax.random.normal(k4, (HIDDEN_DIM, HIDDEN_DIM), dtype=jnp.float32) * (1.0 / np.sqrt(HIDDEN_DIM))
    b1 = jnp.zeros((HIDDEN_DIM,), dtype=jnp.float32)
    W2 = jax.random.normal(k5, (HIDDEN_DIM, HIDDEN_DIM), dtype=jnp.float32) * (1.0 / np.sqrt(HIDDEN_DIM))
    b2 = jnp.zeros((HIDDEN_DIM,), dtype=jnp.float32)
    return {"input_points": input_points, "supernode_idxs": supernode_idxs,
            "W_in": W_in, "b_in": b_in, "W1": W1, "b1": b1, "W2": W2, "b2": b2}


def reference(input_points, supernode_idxs, W_in, b_in, W1, b1, W2, b2):
    # (B, S, k, ndim) coordinates of k nearest neighbors of each supernode
    neigh = k_nearest_neighbors(input_points, supernode_idxs, MAX_DEGREE)
    input_proj = neigh @ W_in + b_in
    pos_embed = continuous_sincos_embed(neigh, HIDDEN_DIM, NDIM)
    x = input_proj + pos_embed
    x = jax.nn.gelu(x @ W1 + b1)
    x = x @ W2 + b2
    x = jnp.mean(x, axis=-2)  # (B, S, hidden_dim)
    return x

if __name__ == "__main__":
    import jax
    _d = setup_inputs()
    print(jax.jit(kernel)(*tuple(_d.values())))

</pallas_src>

<mosaic_0001>
#map = affine_map<(d0, d1) -> (0, 0)>
#map1 = affine_map<(d0, d1) -> (0)>
module attributes {stable_mosaic.version = 14 : i64} {
  func.func @gather_k(%arg0: i32, %arg1: i32, %arg2: memref<8192x128xf32, #tpu.memory_space<hbm>>, %arg3: memref<4096xi32, #tpu.memory_space<hbm>>, %arg4: memref<4096x128xf32, #tpu.memory_space<hbm>>, %arg5: memref<128xi32, #tpu.memory_space<vmem>>, %arg6: memref<128x128xf32, #tpu.memory_space<vmem>>, %arg7: memref<!tpu.dma_semaphore, #tpu.memory_space<semaphore_mem>>) attributes {dimension_semantics = [#tpu.dimension_semantics<core_parallel>, #tpu.dimension_semantics<subcore_parallel>], iteration_bounds = array<i64: 2, 16>, scalar_prefetch = 0 : i64, scratch_operands = 3 : i64, tpu.core_type = #tpu.core_type<sc_vector_subcore>, window_params = [{transform_indices = #map}, {transform_indices = #map1}, {transform_indices = #map}]} {
    %mul3A = arith.constant 2 : i32
    %mul3A_0 = arith.muli %arg1, %mul3A : i32
    %add3A = arith.addi %mul3A_0, %arg0 : i32
    %mul3A_1 = arith.constant 128 : i32
    %mul3A_2 = arith.muli %add3A, %mul3A_1 : i32
    "tpu.region"() ({
      %run_scoped3A = tpu.sem_alloc : memref<!tpu.dma_semaphore, #tpu.memory_space<semaphore_mem>>
      %dma_start3A_7 = tpu.memref_slice %arg3[%mul3A_2] : memref<4096xi32, #tpu.memory_space<hbm>> -> memref<128xi32, #tpu.memory_space<hbm>>
      %dma_start3A_8 = tpu.memref_slice %arg3[%mul3A_2] : memref<4096xi32, #tpu.memory_space<hbm>> -> memref<128xi32, #tpu.memory_space<hbm>>
      tpu.enqueue_dma source(%dma_start3A_8 : memref<128xi32, #tpu.memory_space<hbm>>) target(%arg5 : memref<128xi32, #tpu.memory_space<vmem>>) target_semaphore(%run_scoped3A : memref<!tpu.dma_semaphore, #tpu.memory_space<semaphore_mem>>)
      %dma_wait3A_9 = tpu.memref_slice %arg3[%mul3A_2] : memref<4096xi32, #tpu.memory_space<hbm>> -> memref<128xi32, #tpu.memory_space<hbm>>
      %dma_wait3A_10 = tpu.memref_slice %arg3[%mul3A_2] : memref<4096xi32, #tpu.memory_space<hbm>> -> memref<128xi32, #tpu.memory_space<hbm>>
      tpu.wait_dma2 semaphore(%run_scoped3A : memref<!tpu.dma_semaphore, #tpu.memory_space<semaphore_mem>>) src(%dma_wait3A_10 : memref<128xi32, #tpu.memory_space<hbm>>) dst(%arg5 : memref<128xi32, #tpu.memory_space<vmem>>)
      tpu.yield
    }) : () -> ()
    %dma_start3A = arith.constant 0 : i32
    %dma_start3A_3 = arith.constant 0 : i32
    %dma_start3A_4 = tpu.memref_slice %arg2[%dma_start3A, %dma_start3A_3] : memref<8192x128xf32, #tpu.memory_space<hbm>> -> memref<8192x128xf32, #tpu.memory_space<hbm>>
    tpu.enqueue_indirect_dma source(%dma_start3A_4 : memref<8192x128xf32, #tpu.memory_space<hbm>>) target(%arg6 : memref<128x128xf32, #tpu.memory_space<vmem>>) offsets(%arg5 : memref<128xi32, #tpu.memory_space<vmem>>) semaphore(%arg7 : memref<!tpu.dma_semaphore, #tpu.memory_space<semaphore_mem>>)
    %dma_wait3A = arith.constant 0 : i32
    %dma_wait3A_5 = arith.constant 0 : i32
    %dma_wait3A_6 = tpu.memref_slice %arg2[%dma_wait3A, %dma_wait3A_5] : memref<8192x128xf32, #tpu.memory_space<hbm>> -> memref<8192x128xf32, #tpu.memory_space<hbm>>
    tpu.wait_indirect_dma semaphore(%arg7 : memref<!tpu.dma_semaphore, #tpu.memory_space<semaphore_mem>>) src(%dma_wait3A_6 : memref<8192x128xf32, #tpu.memory_space<hbm>>) dst(%arg6 : memref<128x128xf32, #tpu.memory_space<vmem>>)
    "tpu.region"() ({
      %run_scoped3A = tpu.sem_alloc : memref<!tpu.dma_semaphore, #tpu.memory_space<semaphore_mem>>
      %dma_start3A_7 = arith.constant 0 : i32
      %dma_start3A_8 = tpu.memref_slice %arg4[%mul3A_2, %dma_start3A_7] : memref<4096x128xf32, #tpu.memory_space<hbm>> -> memref<128x128xf32, #tpu.memory_space<hbm>>
      %dma_start3A_9 = arith.constant 0 : i32
      %dma_start3A_10 = tpu.memref_slice %arg4[%mul3A_2, %dma_start3A_9] : memref<4096x128xf32, #tpu.memory_space<hbm>> -> memref<128x128xf32, #tpu.memory_space<hbm>>
      tpu.enqueue_dma source(%arg6 : memref<128x128xf32, #tpu.memory_space<vmem>>) target(%dma_start3A_10 : memref<128x128xf32, #tpu.memory_space<hbm>>) target_semaphore(%run_scoped3A : memref<!tpu.dma_semaphore, #tpu.memory_space<semaphore_mem>>)
      %dma_wait3A_11 = arith.constant 0 : i32
      %dma_wait3A_12 = tpu.memref_slice %arg4[%mul3A_2, %dma_wait3A_11] : memref<4096x128xf32, #tpu.memory_space<hbm>> -> memref<128x128xf32, #tpu.memory_space<hbm>>
      %dma_wait3A_13 = arith.constant 0 : i32
      %dma_wait3A_14 = tpu.memref_slice %arg4[%mul3A_2, %dma_wait3A_13] : memref<4096x128xf32, #tpu.memory_space<hbm>> -> memref<128x128xf32, #tpu.memory_space<hbm>>
      tpu.wait_dma2 semaphore(%run_scoped3A : memref<!tpu.dma_semaphore, #tpu.memory_space<semaphore_mem>>) src(%arg6 : memref<128x128xf32, #tpu.memory_space<vmem>>) dst(%dma_wait3A_14 : memref<128x128xf32, #tpu.memory_space<hbm>>)
      tpu.yield
    }) : () -> ()
    return
  }
}

module attributes {stable_mosaic.version = 14 : i64} {
  func.func @_body(%arg0: i32, %arg1: i32, %arg2: memref<1x2048x3xf32, #tpu.memory_space<vmem>>, %arg3: memref<1x3x2048xf32, #tpu.memory_space<vmem>>, %arg4: memref<1x1024x128xf32, #tpu.memory_space<vmem>>, %arg5: memref<3x256xf32, #tpu.memory_space<vmem>>, %arg6: memref<1x256xf32, #tpu.memory_space<vmem>>, %arg7: memref<1x256xf32, #tpu.memory_space<vmem>>, %arg8: memref<3x256xf32, #tpu.memory_space<vmem>>, %arg9: memref<1x256xf32, #tpu.memory_space<vmem>>, %arg10: memref<256x256xf32, #tpu.memory_space<vmem>>, %arg11: memref<1x256xf32, #tpu.memory_space<vmem>>, %arg12: memref<256x256xf32, #tpu.memory_space<vmem>>, %arg13: memref<1x256xf32, #tpu.memory_space<vmem>>, %arg14: memref<1x1024x256xf32, #tpu.memory_space<vmem>>, %arg15: memref<2048x256xf32, #tpu.memory_space<vmem>>) attributes {dimension_semantics = [#tpu.dimension_semantics<arbitrary>, #tpu.dimension_semantics<arbitrary>], iteration_bounds = array<i64: 4, 1>, scalar_prefetch = 0 : i64, scratch_operands = 1 : i64, tpu.core_type = #tpu.core_type<tc>, window_params = [{transform_indices = @transform_0, window_bounds = array<i64: 1, 2048, 3>}, {transform_indices = @transform_1, window_bounds = array<i64: 1, 3, 2048>}, {transform_indices = @transform_2, window_bounds = array<i64: 1, 1024, 128>}, {pipeline_mode = #tpu.pipeline_mode<synchronous>, transform_indices = @transform_3, window_bounds = array<i64: 3, 256>}, {pipeline_mode = #tpu.pipeline_mode<synchronous>, transform_indices = @transform_4, window_bounds = array<i64: 1, 256>}, {pipeline_mode = #tpu.pipeline_mode<synchronous>, transform_indices = @transform_5, window_bounds = array<i64: 1, 256>}, {pipeline_mode = #tpu.pipeline_mode<synchronous>, transform_indices = @transform_6, window_bounds = array<i64: 3, 256>}, {pipeline_mode = #tpu.pipeline_mode<synchronous>, transform_indices = @transform_7, window_bounds = array<i64: 1, 256>}, {pipeline_mode = #tpu.pipeline_mode<synchronous>, transform_indices = @transform_8, window_bounds = array<i64: 256, 256>}, {pipeline_mode = #tpu.pipeline_mode<synchronous>, transform_indices = @transform_9, window_bounds = array<i64: 1, 256>}, {pipeline_mode = #tpu.pipeline_mode<synchronous>, transform_indices = @transform_10, window_bounds = array<i64: 256, 256>}, {pipeline_mode = #tpu.pipeline_mode<synchronous>, transform_indices = @transform_11, window_bounds = array<i64: 1, 256>}, {transform_indices = @transform_12, window_bounds = array<i64: 1, 1024, 256>}]} {
    %eq3A = arith.constant 0 : i32
    %eq3A_0 = arith.cmpi eq, %arg1, %eq3A : i32
    %convert_element_type3A = arith.extui %eq3A_0 : i1 to i32
    %cond3A = arith.constant 0 : i32
    %cond3A_1 = arith.cmpi ne, %convert_element_type3A, %cond3A : i32
    scf.if %cond3A_1 {
      %get3A_85 = arith.constant 0 : index
      %get3A_86 = arith.constant 0 : index
      %get3A_87 = arith.constant 0 : index
      %get3A_88 = vector.load %arg2[%get3A_85, %get3A_86, %get3A_87] : memref<1x2048x3xf32, #tpu.memory_space<vmem>>, vector<1x2048x3xf32>
      %get3A_89 = vector.shape_cast %get3A_88 : vector<1x2048x3xf32> to vector<2048x3xf32>
      %get3A_90 = arith.constant 0 : index
      %get3A_91 = arith.constant 0 : index
      %get3A_92 = vector.load %arg8[%get3A_90, %get3A_91] : memref<3x256xf32, #tpu.memory_space<vmem>>, vector<3x256xf32>
      %dot_general3A_93 = arith.constant dense<0.000000e+00> : vector<2048x256xf32>
      %dot_general3A_94 = tpu.matmul %get3A_89, %get3A_92, %dot_general3A_93 {dimension_numbers = #tpu.dot_dimension_numbers<[1], [0], [0], [1], [0, 0, 1, 1], [], []>, transpose_lhs_hint = false} : vector<2048x3xf32>, vector<3x256xf32>, vector<2048x256xf32> -> vector<2048x256xf32>
      %get3A_95 = arith.constant 0 : index
      %get3A_96 = arith.constant 0 : index
      %get3A_97 = vector.load %arg9[%get3A_95, %get3A_96] : memref<1x256xf32, #tpu.memory_space<vmem>>, vector<1x256xf32>
      %add3A_98 = vector.broadcast %get3A_97 : vector<1x256xf32> to vector<2048x256xf32>
      %add3A_99 = arith.addf %dot_general3A_94, %add3A_98 : vector<2048x256xf32>
      %get3A_100 = arith.constant 0 : index
      %get3A_101 = arith.constant 0 : index
      %get3A_102 = vector.load %arg5[%get3A_100, %get3A_101] : memref<3x256xf32, #tpu.memory_space<vmem>>, vector<3x256xf32>
      %dot_general3A_103 = arith.constant dense<0.000000e+00> : vector<2048x256xf32>
      %dot_general3A_104 = tpu.matmul %get3A_89, %get3A_102, %dot_general3A_103 {dimension_numbers = #tpu.dot_dimension_numbers<[1], [0], [0], [1], [0, 0, 1, 1], [], []>, transpose_lhs_hint = false} : vector<2048x3xf32>, vector<3x256xf32>, vector<2048x256xf32> -> vector<2048x256xf32>
      %get3A_105 = arith.constant 0 : index
      %get3A_106 = arith.constant 0 : index
      %get3A_107 = vector.load %arg6[%get3A_105, %get3A_106] : memref<1x256xf32, #tpu.memory_space<vmem>>, vector<1x256xf32>
      %add3A_108 = vector.broadcast %get3A_107 : vector<1x256xf32> to vector<2048x256xf32>
      %add3A_109 = arith.addf %dot_general3A_104, %add3A_108 : vector<2048x256xf32>
      %mul3A_110 = arith.constant 0.318309873 : f32
      %mul3A_111 = vector.broadcast %mul3A_110 : f32 to vector<2048x256xf32>
      %mul3A_112 = arith.mulf %add3A_109, %mul3A_111 : vector<2048x256xf32>
      %round3A = math.roundeven %mul3A_112 : vector<2048x256xf32>
      %mul3A_113 = arith.constant 3.140625 : f32
      %mul3A_114 = vector.broadcast %mul3A_113 : f32 to vector<2048x256xf32>
      %mul3A_115 = arith.mulf %round3A, %mul3A_114 : vector<2048x256xf32>
      %sub3A_116 = arith.subf %add3A_109, %mul3A_115 : vector<2048x256xf32>
      %mul3A_117 = arith.constant 9.67653584E-4 : f32
      %mul3A_118 = vector.broadcast %mul3A_117 : f32 to vector<2048x256xf32>
      %mul3A_119 = arith.mulf %round3A, %mul3A_118 : vector<2048x256xf32>
      %sub3A_120 = arith.subf %sub3A_116, %mul3A_119 : vector<2048x256xf32>
      %mul3A_121 = arith.constant 2.84986063E-10 : f32
      %mul3A_122 = vector.broadcast %mul3A_121 : f32 to vector<2048x256xf32>
      %mul3A_123 = arith.mulf %round3A, %mul3A_122 : vector<2048x256xf32>
      %sub3A_124 = arith.subf %sub3A_120, %mul3A_123 : vector<2048x256xf32>
      %mul3A_125 = arith.mulf %sub3A_124, %sub3A_124 : vector<2048x256xf32>
      %mul3A_126 = arith.constant -2.3889859E-8 : f32
      %mul3A_127 = vector.broadcast %mul3A_126 : f32 to vector<2048x256xf32>
      %mul3A_128 = arith.mulf %mul3A_127, %mul3A_125 : vector<2048x256xf32>
      %add3A_129 = arith.constant 2.75255616E-6 : f32
      %add3A_130 = vector.broadcast %add3A_129 : f32 to vector<2048x256xf32>
      %add3A_131 = arith.addf %mul3A_128, %add3A_130 : vector<2048x256xf32>
      %mul3A_132 = arith.mulf %add3A_131, %mul3A_125 : vector<2048x256xf32>
      %sub3A_133 = arith.constant 1.98408743E-4 : f32
      %sub3A_134 = vector.broadcast %sub3A_133 : f32 to vector<2048x256xf32>
      %sub3A_135 = arith.subf %mul3A_132, %sub3A_134 : vector<2048x256xf32>
      %mul3A_136 = arith.mulf %sub3A_135, %mul3A_125 : vector<2048x256xf32>
      %add3A_137 = arith.constant 0.00833333097 : f32
      %add3A_138 = vector.broadcast %add3A_137 : f32 to vector<2048x256xf32>
      %add3A_139 = arith.addf %mul3A_136, %add3A_138 : vector<2048x256xf32>
      %mul3A_140 = arith.mulf %add3A_139, %mul3A_125 : vector<2048x256xf32>
      %sub3A_141 = arith.constant 0.166666538 : f32
      %sub3A_142 = vector.broadcast %sub3A_141 : f32 to vector<2048x256xf32>
      %sub3A_143 = arith.subf %mul3A_140, %sub3A_142 : vector<2048x256xf32>
      %mul3A_144 = arith.mulf %mul3A_125, %sub3A_143 : vector<2048x256xf32>
      %mul3A_145 = arith.mulf %sub3A_124, %mul3A_144 : vector<2048x256xf32>
      %add3A_146 = arith.addf %sub3A_124, %mul3A_145 : vector<2048x256xf32>
      %convert_element_type3A_147 = arith.fptosi %round3A : vector<2048x256xf32> to vector<2048x256xi32>
      %and3A_148 = arith.constant 1 : i32
      %and3A_149 = vector.broadcast %and3A_148 : i32 to vector<2048x256xi32>
      %and3A_150 = arith.andi %convert_element_type3A_147, %and3A_149 : vector<2048x256xi32>
      %eq3A_151 = arith.constant 1 : i32
      %eq3A_152 = vector.broadcast %eq3A_151 : i32 to vector<2048x256xi32>
      %eq3A_153 = arith.cmpi eq, %and3A_150, %eq3A_152 : vector<2048x256xi32>
      %neg3A = arith.constant 0.000000e+00 : f32
      %neg3A_154 = vector.broadcast %neg3A : f32 to vector<2048x256xf32>
      %neg3A_155 = arith.subf %neg3A_154, %add3A_146 : vector<2048x256xf32>
      %select_n3A = arith.select %eq3A_153, %neg3A_155, %add3A_146 : vector<2048x256xi1>, vector<2048x256xf32>
      %get3A_156 = arith.constant 0 : index
      %get3A_157 = arith.constant 0 : index
      %get3A_158 = vector.load %arg7[%get3A_156, %get3A_157] : memref<1x256xf32, #tpu.memory_space<vmem>>, vector<1x256xf32>
      %mul3A_159 = vector.broadcast %get3A_158 : vector<1x256xf32> to vector<2048x256xf32>
      %mul3A_160 = arith.mulf %select_n3A, %mul3A_159 : vector<2048x256xf32>
      %add3A_161 = arith.addf %add3A_99, %mul3A_160 : vector<2048x256xf32>
      %get3A_162 = arith.constant 0 : index
      %get3A_163 = arith.constant 0 : index
      %get3A_164 = vector.load %arg10[%get3A_162, %get3A_163] : memref<256x256xf32, #tpu.memory_space<vmem>>, vector<256x256xf32>
      %dot_general3A_165 = arith.constant dense<0.000000e+00> : vector<2048x256xf32>
      %dot_general3A_166 = tpu.matmul %add3A_161, %get3A_164, %dot_general3A_165 {dimension_numbers = #tpu.dot_dimension_numbers<[1], [0], [0], [1], [0, 0, 1, 1], [], []>, transpose_lhs_hint = false} : vector<2048x256xf32>, vector<256x256xf32>, vector<2048x256xf32> -> vector<2048x256xf32>
      %get3A_167 = arith.constant 0 : index
      %get3A_168 = arith.constant 0 : index
      %get3A_169 = vector.load %arg11[%get3A_167, %get3A_168] : memref<1x256xf32, #tpu.memory_space<vmem>>, vector<1x256xf32>
      %add3A_170 = vector.broadcast %get3A_169 : vector<1x256xf32> to vector<2048x256xf32>
      %add3A_171 = arith.addf %dot_general3A_166, %add3A_170 : vector<2048x256xf32>
      %integer_pow3A = arith.mulf %add3A_171, %add3A_171 : vector<2048x256xf32>
      %integer_pow3A_172 = arith.mulf %add3A_171, %integer_pow3A : vector<2048x256xf32>
      %mul3A_173 = arith.constant 4.471500e-02 : f32
      %mul3A_174 = vector.broadcast %mul3A_173 : f32 to vector<2048x256xf32>
      %mul3A_175 = arith.mulf %mul3A_174, %integer_pow3A_172 : vector<2048x256xf32>
      %add3A_176 = arith.addf %add3A_171, %mul3A_175 : vector<2048x256xf32>
      %mul3A_177 = arith.constant 0.797884583 : f32
      %mul3A_178 = vector.broadcast %mul3A_177 : f32 to vector<2048x256xf32>
      %mul3A_179 = arith.mulf %mul3A_178, %add3A_176 : vector<2048x256xf32>
      %tanh3A = math.tanh %mul3A_179 : vector<2048x256xf32>
      %add3A_180 = arith.constant 1.000000e+00 : f32
      %add3A_181 = vector.broadcast %add3A_180 : f32 to vector<2048x256xf32>
      %add3A_182 = arith.addf %add3A_181, %tanh3A : vector<2048x256xf32>
      %mul3A_183 = arith.constant 5.000000e-01 : f32
      %mul3A_184 = vector.broadcast %mul3A_183 : f32 to vector<2048x256xf32>
      %mul3A_185 = arith.mulf %mul3A_184, %add3A_182 : vector<2048x256xf32>
      %mul3A_186 = arith.mulf %add3A_171, %mul3A_185 : vector<2048x256xf32>
      %get3A_187 = arith.constant 0 : index
      %get3A_188 = arith.constant 0 : index
      %get3A_189 = vector.load %arg12[%get3A_187, %get3A_188] : memref<256x256xf32, #tpu.memory_space<vmem>>, vector<256x256xf32>
      %dot_general3A_190 = arith.constant dense<0.000000e+00> : vector<2048x256xf32>
      %dot_general3A_191 = tpu.matmul %mul3A_186, %get3A_189, %dot_general3A_190 {dimension_numbers = #tpu.dot_dimension_numbers<[1], [0], [0], [1], [0, 0, 1, 1], [], []>, transpose_lhs_hint = false} : vector<2048x256xf32>, vector<256x256xf32>, vector<2048x256xf32> -> vector<2048x256xf32>
      %get3A_192 = arith.constant 0 : index
      %get3A_193 = arith.constant 0 : index
      %get3A_194 = vector.load %arg13[%get3A_192, %get3A_193] : memref<1x256xf32, #tpu.memory_space<vmem>>, vector<1x256xf32>
      %add3A_195 = vector.broadcast %get3A_194 : vector<1x256xf32> to vector<2048x256xf32>
      %add3A_196 = arith.addf %dot_general3A_191, %add3A_195 : vector<2048x256xf32>
      %swap3A_197 = arith.constant 0 : index
      %swap3A_198 = arith.constant 0 : index
      %swap3A_199 = vector.load %arg15[%swap3A_197, %swap3A_198] : memref<2048x256xf32, #tpu.memory_space<vmem>>, vector<2048x256xf32>
      tpu.vector_store %arg15[%swap3A_197, %swap3A_198], %add3A_196 {strides = array<i32>} : memref<2048x256xf32, #tpu.memory_space<vmem>>, vector<2048x256xf32>,
    } else {
    }
    %get3A = arith.constant 0 : index
    %get3A_2 = arith.constant 0 : index
    %get3A_3 = arith.constant 0 : index
    %get3A_4 = vector.load %arg4[%get3A, %get3A_2, %get3A_3] : memref<1x1024x128xf32, #tpu.memory_space<vmem>>, vector<1x1024x128xf32>
    %get3A_5 = vector.shape_cast %get3A_4 : vector<1x1024x128xf32> to vector<1024x128xf32>
    %slice3A = vector.extract_strided_slice %get3A_5 {offsets = [0, 0], sizes = [1024, 3], strides = [1, 1]} : vector<1024x128xf32> to vector<1024x3xf32>
    %get3A_6 = arith.constant 0 : index
    %get3A_7 = arith.constant 0 : index
    %get3A_8 = arith.constant 0 : index
    %get3A_9 = vector.load %arg3[%get3A_6, %get3A_7, %get3A_8] : memref<1x3x2048xf32, #tpu.memory_space<vmem>>, vector<1x3x2048xf32>
    %get3A_10 = vector.shape_cast %get3A_9 : vector<1x3x2048xf32> to vector<3x2048xf32>
    %broadcast_in_dim3A = arith.constant 0.000000e+00 : f32
    %broadcast_in_dim3A_11 = vector.broadcast %broadcast_in_dim3A : f32 to vector<1024x2048xf32>
    %slice3A_12 = vector.extract_strided_slice %slice3A {offsets = [0, 0], sizes = [1024, 1], strides = [1, 1]} : vector<1024x3xf32> to vector<1024x1xf32>
    %slice3A_13 = vector.extract_strided_slice %get3A_10 {offsets = [0, 0], sizes = [1, 2048], strides = [1, 1]} : vector<3x2048xf32> to vector<1x2048xf32>
    %sub3A = vector.broadcast %slice3A_12 : vector<1024x1xf32> to vector<1024x2048xf32>
    %sub3A_14 = vector.broadcast %slice3A_13 : vector<1x2048xf32> to vector<1024x2048xf32>
    %sub3A_15 = arith.subf %sub3A, %sub3A_14 : vector<1024x2048xf32>
    %mul3A = arith.mulf %sub3A_15, %sub3A_15 : vector<1024x2048xf32>
    %add3A = arith.addf %broadcast_in_dim3A_11, %mul3A : vector<1024x2048xf32>
    %slice3A_16 = vector.extract_strided_slice %slice3A {offsets = [0, 1], sizes = [1024, 1], strides = [1, 1]} : vector<1024x3xf32> to vector<1024x1xf32>
    %slice3A_17 = vector.extract_strided_slice %get3A_10 {offsets = [1, 0], sizes = [1, 2048], strides = [1, 1]} : vector<3x2048xf32> to vector<1x2048xf32>
    %sub3A_18 = vector.broadcast %slice3A_16 : vector<1024x1xf32> to vector<1024x2048xf32>
    %sub3A_19 = vector.broadcast %slice3A_17 : vector<1x2048xf32> to vector<1024x2048xf32>
    %sub3A_20 = arith.subf %sub3A_18, %sub3A_19 : vector<1024x2048xf32>
    %mul3A_21 = arith.mulf %sub3A_20, %sub3A_20 : vector<1024x2048xf32>
    %add3A_22 = arith.addf %add3A, %mul3A_21 : vector<1024x2048xf32>
    %slice3A_23 = vector.extract_strided_slice %slice3A {offsets = [0, 2], sizes = [1024, 1], strides = [1, 1]} : vector<1024x3xf32> to vector<1024x1xf32>
    %slice3A_24 = vector.extract_strided_slice %get3A_10 {offsets = [2, 0], sizes = [1, 2048], strides = [1, 1]} : vector<3x2048xf32> to vector<1x2048xf32>
    %sub3A_25 = vector.broadcast %slice3A_23 : vector<1024x1xf32> to vector<1024x2048xf32>
    %sub3A_26 = vector.broadcast %slice3A_24 : vector<1x2048xf32> to vector<1024x2048xf32>
    %sub3A_27 = arith.subf %sub3A_25, %sub3A_26 : vector<1024x2048xf32>
    %mul3A_28 = arith.mulf %sub3A_27, %sub3A_27 : vector<1024x2048xf32>
    %add3A_29 = arith.addf %add3A_22, %mul3A_28 : vector<1024x2048xf32>
    %bitcast_convert_type3A = tpu.bitcast %add3A_29 : vector<1024x2048xf32> -> vector<1024x2048xi32>
    %broadcast_in_dim3A_30 = arith.constant 0 : i32
    %broadcast_in_dim3A_31 = vector.broadcast %broadcast_in_dim3A_30 : i32 to vector<1024x1xi32>
    %broadcast_in_dim3A_32 = arith.constant 2147483647 : i32
    %broadcast_in_dim3A_33 = vector.broadcast %broadcast_in_dim3A_32 : i32 to vector<1024x1xi32>
    %scan3A = arith.constant 0 : i32
    %scan3A_34 = arith.constant 31 : i32
    %scan3A_35 = arith.addi %scan3A, %scan3A_34 : i32
    %scan3A_36 = arith.constant 1 : i32
    %scan3A_37:2 = scf.for %scan3A_85 = %scan3A to %scan3A_35 step %scan3A_36 iter_args(%scan3A_86 = %broadcast_in_dim3A_31, %scan3A_87 = %broadcast_in_dim3A_33) -> (vector<1024x1xi32>, vector<1024x1xi32>)  : i32 {
      %sub3A_88 = arith.subi %scan3A_87, %scan3A_86 : vector<1024x1xi32>
      %jit3A = arith.constant 2 : i32
      %div3A = vector.broadcast %jit3A : i32 to vector<1024x1xi32>
      %div3A_89 = arith.divsi %sub3A_88, %div3A : vector<1024x1xi32>
      %sign3A = arith.constant 0 : i32
      %sign3A_90 = vector.broadcast %sign3A : i32 to vector<1024x1xi32>
      %sign3A_91 = arith.cmpi sgt, %sub3A_88, %sign3A_90 : vector<1024x1xi32>
      %sign3A_92 = arith.extui %sign3A_91 : vector<1024x1xi1> to vector<1024x1xi32>
      %sign3A_93 = arith.constant 0 : i32
      %sign3A_94 = vector.broadcast %sign3A_93 : i32 to vector<1024x1xi32>
      %sign3A_95 = arith.cmpi slt, %sub3A_88, %sign3A_94 : vector<1024x1xi32>
      %sign3A_96 = arith.extui %sign3A_95 : vector<1024x1xi1> to vector<1024x1xi32>
      %sign3A_97 = arith.subi %sign3A_92, %sign3A_96 : vector<1024x1xi32>
      %sign3A_98 = arith.constant 0 : i32
      %sign3A_99 = arith.cmpi sgt, %jit3A, %sign3A_98 : i32
      %sign3A_100 = arith.extui %sign3A_99 : i1 to i32
      %sign3A_101 = arith.constant 0 : i32
      %sign3A_102 = arith.cmpi slt, %jit3A, %sign3A_101 : i32
      %sign3A_103 = arith.extui %sign3A_102 : i1 to i32
      %sign3A_104 = arith.subi %sign3A_100, %sign3A_103 : i32
      %ne3A = vector.broadcast %sign3A_104 : i32 to vector<1024x1xi32>
      %ne3A_105 = arith.cmpi ne, %sign3A_97, %ne3A : vector<1024x1xi32>
      %rem3A = vector.broadcast %jit3A : i32 to vector<1024x1xi32>
      %rem3A_106 = arith.remsi %sub3A_88, %rem3A : vector<1024x1xi32>
      %ne3A_107 = arith.constant 0 : i32
      %ne3A_108 = vector.broadcast %ne3A_107 : i32 to vector<1024x1xi32>
      %ne3A_109 = arith.cmpi ne, %rem3A_106, %ne3A_108 : vector<1024x1xi32>
      %and3A_110 = arith.andi %ne3A_105, %ne3A_109 : vector<1024x1xi1>
      %sub3A_111 = arith.constant 1 : i32
      %sub3A_112 = vector.broadcast %sub3A_111 : i32 to vector<1024x1xi32>
      %sub3A_113 = arith.subi %div3A_89, %sub3A_112 : vector<1024x1xi32>
      %select_n3A = arith.select %and3A_110, %sub3A_113, %div3A_89 : vector<1024x1xi1>, vector<1024x1xi32>
      %add3A_114 = arith.addi %scan3A_86, %select_n3A : vector<1024x1xi32>
      %le3A_115 = vector.broadcast %add3A_114 : vector<1024x1xi32> to vector<1024x2048xi32>
      %le3A_116 = arith.cmpi sle, %bitcast_convert_type3A, %le3A_115 : vector<1024x2048xi32>
      %convert_element_type3A_117 = arith.extui %le3A_116 : vector<1024x2048xi1> to vector<1024x2048xi32>
      %reduce_sum3A_118 = arith.constant dense<0> : vector<1024xi32>
      %reduce_sum3A_119 = vector.multi_reduction <add>, %convert_element_type3A_117, %reduce_sum3A_118 [1] : vector<1024x2048xi32> to vector<1024xi32>
      %broadcast_in_dim3A_120 = vector.shape_cast %reduce_sum3A_119 : vector<1024xi32> to vector<1024x1xi32>
      %ge3A = arith.constant 32 : i32
      %ge3A_121 = vector.broadcast %ge3A : i32 to vector<1024x1xi32>
      %ge3A_122 = arith.cmpi sge, %broadcast_in_dim3A_120, %ge3A_121 : vector<1024x1xi32>
      %add3A_123 = arith.constant 1 : i32
      %add3A_124 = vector.broadcast %add3A_123 : i32 to vector<1024x1xi32>
      %add3A_125 = arith.addi %add3A_114, %add3A_124 : vector<1024x1xi32>
      %select_n3A_126 = arith.select %ge3A_122, %scan3A_86, %add3A_125 : vector<1024x1xi1>, vector<1024x1xi32>
      %select_n3A_127 = arith.select %ge3A_122, %add3A_114, %scan3A_87 : vector<1024x1xi1>, vector<1024x1xi32>
      scf.yield %select_n3A_126, %select_n3A_127 : vector<1024x1xi32>, vector<1024x1xi32>
    }
    %lt3A = vector.broadcast %scan3A_37#0 : vector<1024x1xi32> to vector<1024x2048xi32>
    %lt3A_38 = arith.cmpi slt, %bitcast_convert_type3A, %lt3A : vector<1024x2048xi32>
    %eq3A_39 = vector.broadcast %scan3A_37#0 : vector<1024x1xi32> to vector<1024x2048xi32>
    %eq3A_40 = arith.cmpi eq, %bitcast_convert_type3A, %eq3A_39 : vector<1024x2048xi32>
    %convert_element_type3A_41 = arith.extui %lt3A_38 : vector<1024x2048xi1> to vector<1024x2048xi32>
    %reduce_sum3A = arith.constant dense<0> : vector<1024xi32>
    %reduce_sum3A_42 = vector.multi_reduction <add>, %convert_element_type3A_41, %reduce_sum3A [1] : vector<1024x2048xi32> to vector<1024xi32>
    %broadcast_in_dim3A_43 = vector.shape_cast %reduce_sum3A_42 : vector<1024xi32> to vector<1024x1xi32>
    %sub3A_44 = arith.constant 32 : i32
    %sub3A_45 = vector.broadcast %sub3A_44 : i32 to vector<1024x1xi32>
    %sub3A_46 = arith.subi %sub3A_45, %broadcast_in_dim3A_43 : vector<1024x1xi32>
    %convert_element_type3A_47 = arith.extui %eq3A_40 : vector<1024x2048xi1> to vector<1024x2048xi32>
    %convert_element_type3A_48 = arith.sitofp %convert_element_type3A_47 : vector<1024x2048xi32> to vector<1024x2048xf32>
    %reshape3A = vector.shape_cast %convert_element_type3A_48 : vector<1024x2048xf32> to vector<16384x128xf32>
    %iota3A = tpu.iota {dimensions = array<i32: 0>} : vector<128x128xi32>
    %iota3A_49 = tpu.iota {dimensions = array<i32: 1>} : vector<128x128xi32>
    %le3A = arith.cmpi sle, %iota3A, %iota3A_49 : vector<128x128xi32>
    %convert_element_type3A_50 = arith.extui %le3A : vector<128x128xi1> to vector<128x128xi32>
    %convert_element_type3A_51 = arith.sitofp %convert_element_type3A_50 : vector<128x128xi32> to vector<128x128xf32>
    %dot_general3A = arith.constant dense<0.000000e+00> : vector<16384x128xf32>
    %dot_general3A_52 = tpu.matmul %reshape3A, %convert_element_type3A_51, %dot_general3A {dimension_numbers = #tpu.dot_dimension_numbers<[1], [0], [0], [1], [0, 0, 1, 1], [], []>, transpose_lhs_hint = false} : vector<16384x128xf32>, vector<128x128xf32>, vector<16384x128xf32> -> vector<16384x128xf32>
    %slice3A_53 = vector.extract_strided_slice %dot_general3A_52 {offsets = [0, 127], sizes = [16384, 1], strides = [1, 1]} : vector<16384x128xf32> to vector<16384x1xf32>
    %reshape3A_54 = vector.shape_cast %slice3A_53 : vector<16384x1xf32> to vector<1024x16xf32>
    %iota3A_55 = tpu.iota {dimensions = array<i32: 0>} : vector<16x16xi32>
    %iota3A_56 = tpu.iota {dimensions = array<i32: 1>} : vector<16x16xi32>
    %lt3A_57 = arith.cmpi slt, %iota3A_55, %iota3A_56 : vector<16x16xi32>
    %convert_element_type3A_58 = arith.extui %lt3A_57 : vector<16x16xi1> to vector<16x16xi32>
    %convert_element_type3A_59 = arith.sitofp %convert_element_type3A_58 : vector<16x16xi32> to vector<16x16xf32>
    %dot_general3A_60 = arith.constant dense<0.000000e+00> : vector<1024x16xf32>
    %dot_general3A_61 = tpu.matmul %reshape3A_54, %convert_element_type3A_59, %dot_general3A_60 {dimension_numbers = #tpu.dot_dimension_numbers<[1], [0], [0], [1], [0, 0, 1, 1], [], []>, transpose_lhs_hint = false} : vector<1024x16xf32>, vector<16x16xf32>, vector<1024x16xf32> -> vector<1024x16xf32>
    %reshape3A_62 = vector.shape_cast %dot_general3A_52 : vector<16384x128xf32> to vector<1024x16x128xf32>
    %broadcast_in_dim3A_63 = vector.shape_cast %dot_general3A_61 : vector<1024x16xf32> to vector<1024x16x1xf32>
    %add3A_64 = vector.broadcast %broadcast_in_dim3A_63 : vector<1024x16x1xf32> to vector<1024x16x128xf32>
    %add3A_65 = arith.addf %reshape3A_62, %add3A_64 : vector<1024x16x128xf32>
    %reshape3A_66 = vector.shape_cast %add3A_65 : vector<1024x16x128xf32> to vector<1024x2048xf32>
    %convert_element_type3A_67 = arith.sitofp %sub3A_46 : vector<1024x1xi32> to vector<1024x1xf32>
    %le3A_68 = vector.broadcast %convert_element_type3A_67 : vector<1024x1xf32> to vector<1024x2048xf32>
    %le3A_69 = arith.cmpf ole, %reshape3A_66, %le3A_68 : vector<1024x2048xf32>
    %and3A = arith.andi %eq3A_40, %le3A_69 : vector<1024x2048xi1>
    %or3A = arith.ori %lt3A_38, %and3A : vector<1024x2048xi1>
    %convert_element_type3A_70 = arith.extui %or3A : vector<1024x2048xi1> to vector<1024x2048xi32>
    %convert_element_type3A_71 = arith.sitofp %convert_element_type3A_70 : vector<1024x2048xi32> to vector<1024x2048xf32>
    %get3A_72 = arith.constant 0 : index
    %get3A_73 = arith.constant 0 : index
    %get3A_74 = vector.load %arg15[%get3A_72, %get3A_73] : memref<2048x256xf32, #tpu.memory_space<vmem>>, vector<2048x256xf32>
    %dot_general3A_75 = arith.constant dense<0.000000e+00> : vector<1024x256xf32>
    %dot_general3A_76 = tpu.matmul %convert_element_type3A_71, %get3A_74, %dot_general3A_75 {dimension_numbers = #tpu.dot_dimension_numbers<[1], [0], [0], [1], [0, 0, 1, 1], [], []>, transpose_lhs_hint = false} : vector<1024x2048xf32>, vector<2048x256xf32>, vector<1024x256xf32> -> vector<1024x256xf32>
    %mul3A_77 = arith.constant 3.125000e-02 : f32
    %mul3A_78 = vector.broadcast %mul3A_77 : f32 to vector<1024x256xf32>
    %mul3A_79 = arith.mulf %dot_general3A_76, %mul3A_78 : vector<1024x256xf32>
    %swap3A = arith.constant 0 : index
    %swap3A_80 = arith.constant 0 : index
    %swap3A_81 = arith.constant 0 : index
    %swap3A_82 = vector.load %arg14[%swap3A, %swap3A_80, %swap3A_81] : memref<1x1024x256xf32, #tpu.memory_space<vmem>>, vector<1x1024x256xf32>
    %swap3A_83 = vector.shape_cast %swap3A_82 : vector<1x1024x256xf32> to vector<1024x256xf32>
    %swap3A_84 = vector.shape_cast %mul3A_79 : vector<1024x256xf32> to vector<1x1024x256xf32>
    tpu.vector_store %arg14[%swap3A, %swap3A_80, %swap3A_81], %swap3A_84 {strides = array<i32>} : memref<1x1024x256xf32, #tpu.memory_space<vmem>>, vector<1x1024x256xf32>,
    return
  }
  func.func @transform_0(%arg0: i32, %arg1: i32) -> (i32, i32, i32) {
    %c0_i32 = arith.constant 0 : i32
    %c0_i32_0 = arith.constant 0 : i32
    %c0_i32_1 = arith.constant 0 : i32
    return %arg0, %c0_i32, %c0_i32_0 : i32, i32, i32
  }
  func.func @transform_1(%arg0: i32, %arg1: i32) -> (i32, i32, i32) {
    %c0_i32 = arith.constant 0 : i32
    %c0_i32_0 = arith.constant 0 : i32
    %c0_i32_1 = arith.constant 0 : i32
    return %arg0, %c0_i32, %c0_i32_0 : i32, i32, i32
  }
  func.func @transform_2(%arg0: i32, %arg1: i32) -> (i32, i32, i32) {
    %c0_i32 = arith.constant 0 : i32
    %c0_i32_0 = arith.constant 0 : i32
    return %arg0, %arg1, %c0_i32 : i32, i32, i32
  }
  func.func @transform_3(%arg0: i32, %arg1: i32) -> (i32, i32) {
    %c0_i32 = arith.constant 0 : i32
    %c0_i32_0 = arith.constant 0 : i32
    %c0_i32_1 = arith.constant 0 : i32
    return %c0_i32, %c0_i32_0 : i32, i32
  }
  func.func @transform_4(%arg0: i32, %arg1: i32) -> (i32, i32) {
    %c0_i32 = arith.constant 0 : i32
    %c0_i32_0 = arith.constant 0 : i32
    %c0_i32_1 = arith.constant 0 : i32
    return %c0_i32, %c0_i32_0 : i32, i32
  }
  func.func @transform_5(%arg0: i32, %arg1: i32) -> (i32, i32) {
    %c0_i32 = arith.constant 0 : i32
    %c0_i32_0 = arith.constant 0 : i32
    %c0_i32_1 = arith.constant 0 : i32
    return %c0_i32, %c0_i32_0 : i32, i32
  }
  func.func @transform_6(%arg0: i32, %arg1: i32) -> (i32, i32) {
    %c0_i32 = arith.constant 0 : i32
    %c0_i32_0 = arith.constant 0 : i32
    %c0_i32_1 = arith.constant 0 : i32
    return %c0_i32, %c0_i32_0 : i32, i32
  }
  func.func @transform_7(%arg0: i32, %arg1: i32) -> (i32, i32) {
    %c0_i32 = arith.constant 0 : i32
    %c0_i32_0 = arith.constant 0 : i32
    %c0_i32_1 = arith.constant 0 : i32
    return %c0_i32, %c0_i32_0 : i32, i32
  }
  func.func @transform_8(%arg0: i32, %arg1: i32) -> (i32, i32) {
    %c0_i32 = arith.constant 0 : i32
    %c0_i32_0 = arith.constant 0 : i32
    %c0_i32_1 = arith.constant 0 : i32
    return %c0_i32, %c0_i32_0 : i32, i32
  }
  func.func @transform_9(%arg0: i32, %arg1: i32) -> (i32, i32) {
    %c0_i32 = arith.constant 0 : i32
    %c0_i32_0 = arith.constant 0 : i32
    %c0_i32_1 = arith.constant 0 : i32
    return %c0_i32, %c0_i32_0 : i32, i32
  }
  func.func @transform_10(%arg0: i32, %arg1: i32) -> (i32, i32) {
    %c0_i32 = arith.constant 0 : i32
    %c0_i32_0 = arith.constant 0 : i32
    %c0_i32_1 = arith.constant 0 : i32
    return %c0_i32, %c0_i32_0 : i32, i32
  }
  func.func @transform_11(%arg0: i32, %arg1: i32) -> (i32, i32) {
    %c0_i32 = arith.constant 0 : i32
    %c0_i32_0 = arith.constant 0 : i32
    %c0_i32_1 = arith.constant 0 : i32
    return %c0_i32, %c0_i32_0 : i32, i32
  }
  func.func @transform_12(%arg0: i32, %arg1: i32) -> (i32, i32, i32) {
    %c0_i32 = arith.constant 0 : i32
    %c0_i32_0 = arith.constant 0 : i32
    return %arg0, %arg1, %c0_i32 : i32, i32, i32
  }
}

</mosaic_0001>

<sc_bundles>
// kernel: kernel.4.cloned.1.call-start
scs
__scs_entry_jumppad:
0x0: {  	(pc) =	sbr.rel $0x88, $3  }
0x1: {  	(tag) =	ssettag $0x0;
	lr =	simm.s32 $0x1  }
0x2: {  	[smem:$0x3F99] =	sst lr;
	_ =	strace $0xD0000000  }
0x3: {  	_ = 	snop  }
0x4: {  	_ = 	snop  }
0x5: {  	_ = 	snop  }
0x6: {  	_ = 	snop  }
0x7: {  	_ = 	snop  }
__scs_overlays_trampoline_lowered:
0x8: {  	[smem:$0x3FA8] =	sst s0  }
0x9: {  	[smem:$0x3FA9] =	sst s1  }
0xa: {  	[smem:$0x3FAA] =	sst s2  }
0xb: {  	[smem:$0x3FAB] =	sst s3  }
0xc: {  	[smem:$0x3FAC] =	sst s4  }
0xd: {  	[smem:$0x3FAD] =	sst s5  }
0xe: {  	[smem:$0x3FAE] =	sst s6  }
0xf: {  	[smem:$0x3FAF] =	sst s7  }
0x10: {  	[smem:$0x3FB0] =	sst s8  }
0x11: {  	[smem:$0x3FB1] =	sst s9;
	s0 =	simm.s32 @!p0 $0x0  }
0x12: {  	s1 =	sld [smem:$0x3F97];
	s0 =	simm.s32 @p0 $0x1  }
0x13: {  	[smem:$0x3FB2] =	sst s0;
	s0 =	simm.s32 @!p1 $0x0  }
0x14: {  	s2 =	sld [smem:$0x3F96];
	s0 =	simm.s32 @p1 $0x1  }
0x15: {  	[smem:$0x3FB3] =	sst s0;
	s0 =	simm.s32 @!p2 $0x0  }
0x16: {  	s3 =	sld [smem:$0x3FDB];
	s0 =	simm.s32 @p2 $0x1  }
0x17: {  	s4 =	simm.s32 $0x1BF5;
	[smem:$0x3FB5] =	sst s0  }
0x18: {  	s0 =	sld [smem:$0x3F98];
	_ =	swait.ge [sflag:s4], $0x0  }
0x19: {  	s7 =	sld [smem:$0x3F99]  }
0x1a: {  	s8 =	sadd.s32 $0xFFFFE003, lr  }
0x1b: {  	s9 =	sadd.s32 $0xFFFFFEF7, lr;
	s5 =	simm.s32 $0xFFFFFFFF;
	p2 =	slt.u32 s8, $0xFFFFF086  }
0x1c: {  	p1 =	slt.u32 s9, $0xF7A;
	s5 =	simm.s32 @!p2 $0x0  }
0x1d: {  	s5 =	simm.s32 @p1 $0x1;
	p0 =	seq.s32 s7, s2  }
0x1e: {  	s7 =	smul.u32 @!p0 $0xF7A, s2;
	p2 =	seq.s32 @!p0 s5, $0x0  }
0x1f: {  	s9 =	smul.u32 $0xF7A, s1;
	s8 =	simm.s32 @!p0 $0x1BF5;
	p2 =	por !p2, p0  }
0x20: {  	[sflag:s8] =	ssyncset.s32 @!p0 $0xFFFFF086;
	s6 =	sadd.s32 @!p0 s3, s7;
	s7 =	simm.s32 @!p0 $0x108  }
0x21: {  	s3 =	sadd.s32 s3, s9;
	s6 =	sadd.s32 @!p0 $0x88, s6;
	s7 =	simm.s32 @p2 $0x1082  }
0x22: {  	[simem:s7], [sflag:s8] =	dma.local @!p0 [hbm:s6], $0xF7A  }
0x23: {  	s9 =	sor.u32 $0xD0000000, s2;
	s6 =	simm.s32 $0x108;
	_ =	swait.ge @!p0 [sflag:s8], $0x0  }
0x24: {  	s3 =	sadd.s32 $0x88, s3;
	s6 =	simm.s32 @!p1 $0x1082;
	[sflag:s4] =	ssyncset.s32 $0xFFFFF086  }
0x25: {  	[simem:s6], [sflag:s4] =	dma.local [hbm:s3], $0xF7A  }
0x26: {  	[smem:$0x3F99] =	sst s1;
	(tag) =	ssettag s2;
	_ =	strace s9  }
0x27: {  	s1 =	sld [smem:$0x3FA9]  }
0x28: {  	s2 =	sld [smem:$0x3FAA]  }
0x29: {  	s4 =	sld [smem:$0x3FAC]  }
0x2a: {  	p0 =	seq.s32 s5, $0x0;
	s5 =	sld [smem:$0x3FAD]  }
0x2b: {  	s6 =	sld [smem:$0x3FAE]  }
0x2c: {  	s7 =	sld [smem:$0x3FAF]  }
0x2d: {  	s3 =	simm.s32 $0x108;
	s8 =	sld [smem:$0x3FB0]  }
0x2e: {  	s3 =	simm.s32 @!p0 $0x1082;
	s9 =	sld [smem:$0x3FB1]  }
0x2f: {  	lr =	sadd.s32 s0, s3;
	s0 =	sld [smem:$0x3FA8]  }
0x30: {  	s3 =	sld [smem:$0x3FAB]  }
0x31: {  	[smem:$0x3FB4] =	sst s10  }
0x32: {  	s10 =	sld [smem:$0x3FB2];
	_ =	sdelay $0x3  }
0x33: {  	p0 =	seq.s32 s10, $0x1;
	s10 =	sld [smem:$0x3FB4];
	_ =	sdelay $0x3  }
0x34: {  	[smem:$0x3FB4] =	sst s10  }
0x35: {  	s10 =	sld [smem:$0x3FB3];
	_ =	sdelay $0x3  }
0x36: {  	p1 =	seq.s32 s10, $0x1;
	s10 =	sld [smem:$0x3FB4];
	_ =	sdelay $0x3  }
0x37: {  	[smem:$0x3FB4] =	sst s10  }
0x38: {  	s10 =	sld [smem:$0x3FB5]  }
0x39: {  	_ = 	snop;
	(pc) =	sbr.ind lr, $3  }
0x3a: {  	_ = 	snop  }
0x3b: {  	_ = 	snop  }
0x3c: {  	p2 =	seq.s32 s10, $0x1;
	s10 =	sld [smem:$0x3FB4]  }
0x3d: {  	_ =	shalt  }
0x3e: {  	_ =	shalt  }
0x3f: {  	_ =	shalt  }
0x40: {  	_ =	shalt  }
0x41: {  	_ =	shalt  }
0x42: {  	_ =	shalt  }
0x43: {  	_ =	shalt  }
0x44: {  	_ =	shalt  }
0x45: {  	_ =	shalt  }
0x46: {  	_ =	shalt  }
0x47: {  	_ =	shalt  }
0x48: {  	_ =	shalt  }
0x49: {  	_ =	shalt  }
0x4a: {  	_ =	shalt  }
0x4b: {  	_ =	shalt  }
0x4c: {  	_ =	shalt  }
0x4d: {  	_ =	shalt  }
0x4e: {  	_ =	shalt  }
0x4f: {  	_ =	shalt  }
0x50: {  	_ =	shalt  }
0x51: {  	_ =	shalt  }
0x52: {  	_ =	shalt  }
0x53: {  	_ =	shalt  }
0x54: {  	_ =	shalt  }
0x55: {  	_ =	shalt  }
0x56: {  	_ =	shalt  }
0x57: {  	_ =	shalt  }
0x58: {  	_ =	shalt  }
0x59: {  	_ =	shalt  }
0x5a: {  	_ =	shalt  }
0x5b: {  	_ =	shalt  }
0x5c: {  	_ =	shalt  }
0x5d: {  	_ =	shalt  }
0x5e: {  	_ =	shalt  }
0x5f: {  	_ =	shalt  }
0x60: {  	_ =	shalt  }
0x61: {  	_ =	shalt  }
0x62: {  	_ =	shalt  }
0x63: {  	_ =	shalt  }
0x64: {  	_ =	shalt  }
0x65: {  	_ =	shalt  }
0x66: {  	_ =	shalt  }
0x67: {  	_ =	shalt  }
0x68: {  	_ =	shalt  }
0x69: {  	_ =	shalt  }
0x6a: {  	_ =	shalt  }
0x6b: {  	_ =	shalt  }
0x6c: {  	_ =	shalt  }
0x6d: {  	_ =	shalt  }
0x6e: {  	_ =	shalt  }
0x6f: {  	_ =	shalt  }
0x70: {  	_ =	shalt  }
0x71: {  	_ =	shalt  }
0x72: {  	_ =	shalt  }
0x73: {  	_ =	shalt  }
0x74: {  	_ =	shalt  }
0x75: {  	_ =	shalt  }
0x76: {  	_ =	shalt  }
0x77: {  	_ =	shalt  }
0x78: {  	_ =	shalt  }
0x79: {  	_ =	shalt  }
0x7a: {  	_ =	shalt  }
0x7b: {  	_ =	shalt  }
0x7c: {  	_ =	shalt  }
0x7d: {  	_ =	shalt  }
0x7e: {  	_ =	shalt  }
0x7f: {  	_ =	shalt  }
0x80: {  	_ =	shalt  }
0x81: {  	_ =	shalt  }
0x82: {  	_ =	shalt  }
0x83: {  	_ =	shalt  }
0x84: {  	_ =	shalt  }
0x85: {  	_ =	shalt  }
0x86: {  	_ =	shalt  }
0x87: {  	_ =	shalt  }
.Lfunc_end0:
.L_simem_size_0:
called_computation_lowered:
.L_overlay_start_0:
0x88: {  	s2 =	sld [smem:$0x3FD9]  }
0x89: {  	s3 =	sld [smem:$0x3FFE];
	_ =	sdelay $0x1  }
0x8a: {  	s1 =	srdreg.scid  }
0x8b: {  	s0 =	sand.u32 $0x1, s1  }
0x8c: {  	s17 =	sshll.u32 s0, $0xA;
	s2 =	sadd.s32 s3, s2  }
0x8d: {  	s2 =	sadd.s32 s2, s17  }
0x8e: {  	[smem:$0x3FC0] =	sst s2  }
0x8f: {  	_ = 	snop  }
0x90: {  	s2 =	sld [smem:$0x3FD0];
	(tm) =	ssettm $0x1  }
0x91: {  	s18 =	sld [smem:$0x3FFB];
	_ =	sdelay $0x3  }
0x92: {  	_ =	strace s18  }
0x93: {  	s3 =	sld [smem:$0x3FFC];
	_ =	sdelay $0x3  }
0x94: {  	_ =	strace s3  }
0x95: {  	s3 =	sld [smem:$0x3FFD];
	_ =	sdelay $0x3  }
0x96: {  	_ =	strace s3  }
0x97: {  	_ =	strace $0x8FFFFFFF  }
0x98: {  	s19 =	sld [smem:$0x3FDB];
	_ =	sdelay $0x1  }
0x99: {  	s4 =	simm.s32 $_scs_section_size  }
0x9a: {  	s5 =	simm.s32 $_size__tile_overlayer_lowered;
	s6 =	simm.s32 $_tile_overlayer_lowered  }
0x9b: {  	s22 =	simm.s32 $0x1BFF;
	s21 =	sshll.u32 s6, $0x1;
	s3 =	sadd.s32 s4, s19  }
0x9c: {  	s7 =	simm.s32 $0x0;
	s20 =	sshll.u32 s5, $0x1;
	s5 =	sadd.s32 s21, s3  }
0x9d: {  	[timem:s7], [sflag:s22] =	dma.local [hbm:s5], s20  }
0x9e: {  	_ =	swait.ge [sflag:s22], s20  }
0x9f: {  	s4 =	ssub.s32 $0x0, s20;
	[sflag:s22] =	ssyncset.done $0x0  }
0xa0: {  	[sflag:s22] =	ssyncadd.s32 s4;
	_ =	sdelay $0x1  }
0xa1: {  	s23 =	simm.s32 $0x1B8B  }
0xa2: {  	_ =	swait.ge [sflag:s23], $0x1  }
0xa3: {  	[sflag:s23] =	ssyncset.done $0x0  }
0xa4: {  	s25 =	simm.s32 $0x1B8E;
	s24 =	sld [smem:$0x3FFE];
	[sflag:s23] =	ssyncadd.s32 $0xFFFFFFFF  }
0xa5: {  	s26 =	simm.s32 $execute0_lowered;
	[smem:$0x3FD2] =	sst s25  }
0xa6: {  	s5 =	sshll.u32 s26, $0x1;
	_ =	strace $0x80000046;
	[dreg:$0x1] =	wrdreg $0xFFFFFFFF  }
0xa7: {  	s28 =	simm.s32 $_size_execute0_lowered;
	s3 =	sadd.s32 s3, s5;
	[dreg:$0x0] =	wrdreg $0x0  }
0xa8: {  	s5 =	sshll.u32 s28, $0x1;
	[dreg:$0x2] =	wrdreg s3  }
0xa9: {  	[dreg:$0x3] =	wrdreg s5  }
0xaa: {  	[dreg:$0x4] =	wrdreg $0xC0  }
0xab: {  	_ =	task [dreg:s7], $0x5FFFF  }
0xac: {  	[dreg:$0x1] =	wrdreg $0xFFFFFFFF  }
0xad: {  	[dreg:$0x0] =	wrdreg $0x60  }
0xae: {  	[dreg:$0x2] =	wrdreg s2  }
0xaf: {  	[dreg:$0x3] =	wrdreg s24  }
0xb0: {  	[dreg:$0x4] =	wrdreg $0x9  }
0xb1: {  	_ =	task.clear_ibuf [dreg:s7], $0x5FFFF;
	_ =	strace $0x90000046  }
0xb2: {  	s29 =	simm.s32 $0x9;
	_ =	strace $0x80000048  }
0xb3: {  	_ =	swait.ge [sflag:s29], $0x1  }
0xb4: {  	[sflag:s29] =	ssyncadd.s32 $0xFFFFFFFF  }
0xb5: {  	_ =	strace $0x90000048  }
0xb6: {  	_ =	sfence  }
0xb7: {  	s30 =	sld [smem:$0x0];
	_ =	sdelay $0x2  }
0xb8: {  	s31 =	sshll.u32 s1, $0xD;
	s1 =	sshrl.u32 s1, $0x2  }
0xb9: {  	s3 =	sand.u32 $0x4000, s31;
	s1 =	sadd.s32 s1, s30  }
0xba: {  	s0 =	sor.u32 s3, s0;
	s1 =	sshll.u32 s1, $0x11  }
0xbb: {  	s0 =	sor.u32 s1, s0  }
0xbc: {  	s0 =	sadd.s32 $0x8F2B, s0  }
0xbd: {  	[sflag:s0] =	ssyncadd.remote.s32 $0x1  }
0xbe: {  	_ =	sfence.sel $0xFFFF  }
0xbf: {  	[dreg:$0x0] =	wrdreg $0xFFFFFFFF;
	(pc) =	sbr.abs _section_cstart, $3  }
0xc0: {  	[dreg:$0x1] =	wrdreg $0xFFFFFFFF  }
0xc1: {  	_ =	task.clear_ibuf [dreg:s7], $0x2FFFF;
	_ =	strace $0x9FFFFFFF  }
0xc2: {  	(tm) =	ssettm $0x7FFFFFFF  }
0xc3: {  	_ =	shalt  }
tec
execute0_lowered:
.L_overlay_start_1:
0x0: {  	(tag) =	ssettag $0x1  }
0x1: {  	s1 =	srdreg.scid  }
0x2: {  	s0 =	stileid.u32;
	s6 =	sand.u32 $0x1, s1  }
0x3: {  	s2 =	rddreg [dreg:$0x0];
	s30 =	sshll.u32 s0, $0x8;
	s3 =	sshll.u32 s6, $0x7  }
0x4: {  	s8 =	rddreg [dreg:$0x1];
	s7 =	simm.s32 $0x1;
	s9 =	sor.u32 s3, s30  }
0x5: {  	s1 =	rddreg [dreg:$0x2];
	s3 =	simm.s32 $0x0;
	s4 =	sshrl.u32 s9, $0x3  }
0x6: {  	s10 =	ssub.s32 $0x2, s6;
	[smem:$0x7FF] =	sst s3;
	s4 =	sadd.s32 s4, s8  }
0x7: {  	_ =	strace $0x80000047;
	s5 =	sadd.s32 $0x1C00, s4;
	s4 =	simm.s32 $0x2  }
0x8: {  	[tilespmem:s3], [sflag:$0x2] =	stream.linear.gather [hbm4b:s5+s3], $0x80, $0x38;
	[tilespmem:$0x4080] =	vst v63  }
0x9: {  	s6 =	simm.s32 $0x80;
	s11 =	sshrl.u32 s10, $0x1;
	_ =	swait.ge [sflag:s4], $0x80  }
0xa: {  	s9 =	sshll.u32 s9, $0x4;
	s31 =	ssub.s32 s10, s11;
	[sflag:s4] =	ssyncset.done $0x0  }
0xb: {  	s8 =	sadd.s32 s9, s8;
	s9 =	smax.u32 s31, $0x1;
	[sflag:s4] =	ssyncadd.s32 $0xFFFFFF80  }
0xc: {  	[tilespmem:s6], [sflag:$0x1] =	stream.indirect.gather [hbm4b:s2+s6], $0x80, s3, s6, $0xb8;
	[tilespmem:$0x4080] =	vst v63  }
0xd: {  	p0 =	sne.s32 s9, $0x1;
	_ =	swait.ge [sflag:s7], $0x4000  }
.Ltmp0:
0xe: {  	[sflag:s7] =	ssyncset.done $0x0;
	(pc) =	sbr.rel @!p0 .LBB2_2-.Ltmp0, $4  }
0xf: {  	s8 =	sadd.s32 $0x1E00, s8;
	[sflag:s7] =	ssyncadd.s32 $0xFFFFC000  }
0x10: {  	[hbm4b:s8+s3] =	stream.linear.scatter [tilespmem:s6], [sflag:$0x2], $0x4000, $0x38;
	[tilespmem:$0x4080] =	vst v63  }
0x11: {  	_ =	swait.ge [sflag:s4], $0x4000  }
0x12: {  	s9 =	sadd.s32 $0xFFFFFFFF, s9;
	[sflag:s4] =	ssyncset.done $0x0  }
.LBB2_1:
0x13: {  	p0 =	sne.s32 s9, $0x1;
	s9 =	sadd.s32 $0xFFFFFFFF, s9;
	[sflag:s4] =	ssyncadd.s32 $0xFFFFC000  }
0x14: {  	[tilespmem:s3], [sflag:$0x2] =	stream.linear.gather [hbm4b:s5+s3], $0x80, $0x38;
	[tilespmem:$0x4080] =	vst v63  }
0x15: {  	_ =	swait.ge [sflag:s4], $0x80  }
0x16: {  	[sflag:s4] =	ssyncset.done $0x0  }
0x17: {  	[sflag:s4] =	ssyncadd.s32 $0xFFFFFF80  }
0x18: {  	[tilespmem:s6], [sflag:$0x1] =	stream.indirect.gather [hbm4b:s2+s6], $0x80, s3, s6, $0xb8;
	[tilespmem:$0x4080] =	vst v63  }
0x19: {  	_ =	swait.ge [sflag:s7], $0x4000  }
.Ltmp1:
0x1a: {  	[sflag:s7] =	ssyncset.done $0x0;
	(pc) =	sbr.rel @p0 .LBB2_1-.Ltmp1, $4  }
0x1b: {  	[sflag:s7] =	ssyncadd.s32 $0xFFFFC000  }
0x1c: {  	[hbm4b:s8+s3] =	stream.linear.scatter [tilespmem:s6], [sflag:$0x2], $0x4000, $0x38;
	[tilespmem:$0x4080] =	vst v63  }
0x1d: {  	_ =	swait.ge [sflag:s4], $0x4000  }
0x1e: {  	[sflag:s4] =	ssyncset.done $0x0  }
.LBB2_2:
0x1f: {  	[sflag:s4] =	ssyncadd.s32 $0xFFFFC000  }
0x20: {  	_ =	sfence.sel $0x180000  }
0x21: {  	[bflag:$0x0] =	sbarrier.arrive $0xFFFF  }
0x22: {  	p0 =	sne.s32 s0, $0x0;
	_ =	strace $0x90000047  }
0x23: {  	s0 =	sadd.s32 @!p0 $0x100000, s1;
	[bflag:$0x2] =	sbarrier.arrive $0xFFFF  }
0x24: {  	[sflag:s0] =	ssyncadd.tile.s32 @!p0 $0x1;
	_ =	shalt  }
.Lfunc_end2:
_tile_overlayer_lowered:
.L_overlay_start_2:
0x25: {  	(tag) =	ssettag $0x2  }
0x26: {  	s0 =	rddreg [dreg:$0x0];
	s2 =	stileid.u32  }
0x27: {  	s1 =	rddreg [dreg:$0x1];
	p0 =	sne.s32 s2, $0x0  }
0x28: {  	s3 =	rddreg [dreg:$0x2];
	[bflag:$0x3] =	sbarrier.arrive $0xFFFF;
	s2 =	simm.s32 @!p0 $0x1C02  }
0x29: {  	[timem:s3], [sflag:s2] =	dma.local @!p0 [hbm:s0], s1  }
0x2a: {  	s0 =	simm.s32 @!p0 $0x2  }
0x2b: {  	_ =	swait.ge @!p0 [sflag:s0], s1  }
0x2c: {  	s1 =	ssub.s32 @!p0 $0x0, s1;
	[sflag:s0] =	ssyncset.done @!p0 $0x0  }
0x2d: {  	[sflag:s0] =	ssyncadd.s32 @!p0 s1  }
0x2e: {  	[bflag:$0x3] =	sbarrier.arrive $0xFFFF  }
0x2f: {  	_ =	shalt  }

</sc_bundles>
